<compile_context>
chip_gen: v7x
topology: tpu7x:2x2x1
jax: 0.10.2.dev20260603
libtpu: 0.0.44.dev20260713+nightly
codegen_flags: <defaults>
</compile_context>

<pallas_src>
import functools

import jax
import jax.numpy as jnp
from jax import lax
from jax.experimental import pallas as pl
from jax.experimental.pallas import tpu as pltpu
from jax.experimental.pallas import tpu_sc as plsc

B, L, D = 1024, 200, 128
NC, NS, LANES = 2, 16, 16
NW = NC * NS
ROWS_PER_W = B // NW
CHUNKS = ((0, 128), (128, L - 128))


def _sc_kernel(ids_hbm, weight_hbm, alpha_hbm, out_hbm, idx_v, x_v, alpha_v, sem):
    wid = lax.axis_index("s") * NC + lax.axis_index("c")
    pltpu.sync_copy(alpha_hbm, alpha_v)
    a = alpha_v[...]

    def row_body(r, carry):
        b = wid * ROWS_PER_W + r
        pltpu.sync_copy(ids_hbm.at[b], idx_v)
        for off, n in CHUNKS:
            pltpu.async_copy(
                weight_hbm.at[idx_v.at[pl.ds(off, n)]],
                x_v.at[pl.ds(off, n)],
                sem,
            ).wait()

        def mix_body(i, carry2):
            l = (L - 1) - i
            for j in range(D // LANES):
                sl = pl.ds(j * LANES, LANES)
                x_v[l, sl] = x_v[l, sl] + a * x_v[l - 1, sl]
            return carry2

        lax.fori_loop(0, L - 1, mix_body, 0)
        pltpu.sync_copy(x_v, out_hbm.at[b])
        return carry

    lax.fori_loop(0, ROWS_PER_W, row_body, 0)


@jax.jit
def kernel(ids, weight, alpha):
    alpha_vec = jnp.broadcast_to(alpha.astype(jnp.float32), (LANES,))
    mesh = plsc.VectorSubcoreMesh(core_axis_name="c", subcore_axis_name="s")
    run = pl.kernel(
        _sc_kernel,
        out_type=jax.ShapeDtypeStruct((B, L, D), jnp.float32),
        mesh=mesh,
        scratch_types=[
            pltpu.VMEM((L,), jnp.int32),
            pltpu.VMEM((L, D), jnp.float32),
            pltpu.VMEM((LANES,), jnp.float32),
            pltpu.SemaphoreType.DMA,
        ],
    )
    return run(ids.astype(jnp.int32), weight, alpha_vec)

# --- scband reference (transcript-rebuilt; emitter-appended) ---
"""Pipeline reference for scband-shift-mixed-embedding-42769284334006 (READ-ONLY COPY).

The authoritative reference and input builder live on the scoring server;
editing this copy changes nothing except your own understanding.
"""

import jax, jax.numpy as jnp
import numpy as np


def setup_inputs(seed: int = 0) -> dict:
    key = jax.random.key(seed)
    k1, k2 = jax.random.split(key)
    ids = jax.random.randint(k1, (1024, 200), 0, 100000, dtype=jnp.int64 if jax.config.jax_enable_x64 else jnp.int32)
    weight = jax.random.normal(k2, (100000, 128), dtype=jnp.float32) * 0.02
    alpha = jnp.asarray(0.5, dtype=jnp.float32)
    return {"ids": ids, "weight": weight, "alpha": alpha}


def reference(ids, weight, alpha):
    # x = E[tok]
    x = jnp.take(weight, ids, axis=0)  # [B, L, D]
    # causal roll along sequence dim; position 0 zeroed (no future leakage)
    x_prev = jnp.roll(x, 1, axis=1)
    x_prev = x_prev.at[:, 0, :].set(0.0)
    return x + alpha.astype(x.dtype) * x_prev

if __name__ == "__main__":
    import jax
    _d = setup_inputs()
    print(jax.jit(kernel)(*tuple(_d.values())))

</pallas_src>

<mosaic_0001>
#map = affine_map<(d0, d1) -> (0, 0)>
#map1 = affine_map<(d0, d1) -> (0)>
#map2 = affine_map<(d0, d1) -> (0, 0, 0)>
module attributes {stable_mosaic.version = 14 : i64} {
  func.func @_sc_kernel(%arg0: i32, %arg1: i32, %arg2: memref<1024x200xi32, #tpu.memory_space<hbm>>, %arg3: memref<100000x128xf32, #tpu.memory_space<hbm>>, %arg4: memref<16xf32, #tpu.memory_space<hbm>>, %arg5: memref<1024x200x128xf32, #tpu.memory_space<hbm>>, %arg6: memref<200xi32, #tpu.memory_space<vmem>>, %arg7: memref<200x128xf32, #tpu.memory_space<vmem>>, %arg8: memref<16xf32, #tpu.memory_space<vmem>>, %arg9: memref<!tpu.dma_semaphore, #tpu.memory_space<semaphore_mem>>) attributes {dimension_semantics = [#tpu.dimension_semantics<core_parallel>, #tpu.dimension_semantics<subcore_parallel>], iteration_bounds = array<i64: 2, 16>, scalar_prefetch = 0 : i64, scratch_operands = 4 : i64, tpu.core_type = #tpu.core_type<sc_vector_subcore>, window_params = [{transform_indices = #map}, {transform_indices = #map}, {transform_indices = #map1}, {transform_indices = #map2}]} {
    %mul3A = arith.constant 2 : i32
    %mul3A_0 = arith.muli %arg1, %mul3A : i32
    %add3A = arith.addi %mul3A_0, %arg0 : i32
    "tpu.region"() ({
      %run_scoped3A = tpu.sem_alloc : memref<!tpu.dma_semaphore, #tpu.memory_space<semaphore_mem>>
      tpu.enqueue_dma source(%arg4 : memref<16xf32, #tpu.memory_space<hbm>>) target(%arg8 : memref<16xf32, #tpu.memory_space<vmem>>) target_semaphore(%run_scoped3A : memref<!tpu.dma_semaphore, #tpu.memory_space<semaphore_mem>>)
      tpu.wait_dma2 semaphore(%run_scoped3A : memref<!tpu.dma_semaphore, #tpu.memory_space<semaphore_mem>>) src(%arg4 : memref<16xf32, #tpu.memory_space<hbm>>) dst(%arg8 : memref<16xf32, #tpu.memory_space<vmem>>)
      tpu.yield
    }) : () -> ()
    %get3A = arith.constant 0 : index
    %get3A_1 = tpu.vector_load %arg8[%get3A] {strides = array<i32>} : memref<16xf32, #tpu.memory_space<vmem>>, vector<16xf32>,
    %get3A_2 = vector.shape_cast %get3A_1 : vector<16xf32> to vector<16xf32>
    %scan3A = arith.constant 0 : i32
    %scan3A_3 = arith.constant 0 : i32
    %scan3A_4 = arith.constant 32 : i32
    %scan3A_5 = arith.addi %scan3A_3, %scan3A_4 : i32
    %scan3A_6 = arith.constant 1 : i32
    scf.for %scan3A_8 = %scan3A_3 to %scan3A_5 step %scan3A_6  : i32 {
      %mul3A_9 = arith.constant 32 : i32
      %mul3A_10 = arith.muli %add3A, %mul3A_9 : i32
      %add3A_11 = arith.addi %mul3A_10, %scan3A_8 : i32
      "tpu.region"() ({
        %run_scoped3A = tpu.sem_alloc : memref<!tpu.dma_semaphore, #tpu.memory_space<semaphore_mem>>
        %dma_start3A_48 = arith.constant 0 : i32
        %dma_start3A_49 = tpu.memref_slice %arg2[%add3A_11, %dma_start3A_48] : memref<1024x200xi32, #tpu.memory_space<hbm>> -> memref<1x200xi32, #tpu.memory_space<hbm>>
        %dma_start3A_50 = tpu.memref_squeeze %dma_start3A_49 : memref<1x200xi32, #tpu.memory_space<hbm>> -> memref<200xi32, #tpu.memory_space<hbm>>
        %dma_start3A_51 = arith.constant 0 : i32
        %dma_start3A_52 = tpu.memref_slice %arg2[%add3A_11, %dma_start3A_51] : memref<1024x200xi32, #tpu.memory_space<hbm>> -> memref<1x200xi32, #tpu.memory_space<hbm>>
        %dma_start3A_53 = tpu.memref_squeeze %dma_start3A_52 : memref<1x200xi32, #tpu.memory_space<hbm>> -> memref<200xi32, #tpu.memory_space<hbm>>
        tpu.enqueue_dma source(%dma_start3A_53 : memref<200xi32, #tpu.memory_space<hbm>>) target(%arg6 : memref<200xi32, #tpu.memory_space<vmem>>) target_semaphore(%run_scoped3A : memref<!tpu.dma_semaphore, #tpu.memory_space<semaphore_mem>>)
        %dma_wait3A_54 = arith.constant 0 : i32
        %dma_wait3A_55 = tpu.memref_slice %arg2[%add3A_11, %dma_wait3A_54] : memref<1024x200xi32, #tpu.memory_space<hbm>> -> memref<1x200xi32, #tpu.memory_space<hbm>>
        %dma_wait3A_56 = tpu.memref_squeeze %dma_wait3A_55 : memref<1x200xi32, #tpu.memory_space<hbm>> -> memref<200xi32, #tpu.memory_space<hbm>>
        %dma_wait3A_57 = arith.constant 0 : i32
        %dma_wait3A_58 = tpu.memref_slice %arg2[%add3A_11, %dma_wait3A_57] : memref<1024x200xi32, #tpu.memory_space<hbm>> -> memref<1x200xi32, #tpu.memory_space<hbm>>
        %dma_wait3A_59 = tpu.memref_squeeze %dma_wait3A_58 : memref<1x200xi32, #tpu.memory_space<hbm>> -> memref<200xi32, #tpu.memory_space<hbm>>
        tpu.wait_dma2 semaphore(%run_scoped3A : memref<!tpu.dma_semaphore, #tpu.memory_space<semaphore_mem>>) src(%dma_wait3A_59 : memref<200xi32, #tpu.memory_space<hbm>>) dst(%arg6 : memref<200xi32, #tpu.memory_space<vmem>>)
        tpu.yield
      }) : () -> ()
      %dma_start3A = arith.constant 0 : i32
      %dma_start3A_12 = arith.constant 0 : i32
      %dma_start3A_13 = tpu.memref_slice %arg7[%dma_start3A, %dma_start3A_12] : memref<200x128xf32, #tpu.memory_space<vmem>> -> memref<128x128xf32, #tpu.memory_space<vmem>>
      %dma_start3A_14 = arith.constant 0 : i32
      %dma_start3A_15 = tpu.memref_slice %arg6[%dma_start3A_14] : memref<200xi32, #tpu.memory_space<vmem>> -> memref<128xi32, #tpu.memory_space<vmem>>
      %dma_start3A_16 = arith.constant 0 : i32
      %dma_start3A_17 = arith.constant 0 : i32
      %dma_start3A_18 = tpu.memref_slice %arg3[%dma_start3A_16, %dma_start3A_17] : memref<100000x128xf32, #tpu.memory_space<hbm>> -> memref<100000x128xf32, #tpu.memory_space<hbm>>
      tpu.enqueue_indirect_dma source(%dma_start3A_18 : memref<100000x128xf32, #tpu.memory_space<hbm>>) target(%dma_start3A_13 : memref<128x128xf32, #tpu.memory_space<vmem>>) offsets(%dma_start3A_15 : memref<128xi32, #tpu.memory_space<vmem>>) semaphore(%arg9 : memref<!tpu.dma_semaphore, #tpu.memory_space<semaphore_mem>>)
      %dma_wait3A = arith.constant 0 : i32
      %dma_wait3A_19 = arith.constant 0 : i32
      %dma_wait3A_20 = tpu.memref_slice %arg7[%dma_wait3A, %dma_wait3A_19] : memref<200x128xf32, #tpu.memory_space<vmem>> -> memref<128x128xf32, #tpu.memory_space<vmem>>
      %dma_wait3A_21 = arith.constant 0 : i32
      %dma_wait3A_22 = tpu.memref_slice %arg6[%dma_wait3A_21] : memref<200xi32, #tpu.memory_space<vmem>> -> memref<128xi32, #tpu.memory_space<vmem>>
      %dma_wait3A_23 = arith.constant 0 : i32
      %dma_wait3A_24 = arith.constant 0 : i32
      %dma_wait3A_25 = tpu.memref_slice %arg3[%dma_wait3A_23, %dma_wait3A_24] : memref<100000x128xf32, #tpu.memory_space<hbm>> -> memref<100000x128xf32, #tpu.memory_space<hbm>>
      tpu.wait_indirect_dma semaphore(%arg9 : memref<!tpu.dma_semaphore, #tpu.memory_space<semaphore_mem>>) src(%dma_wait3A_25 : memref<100000x128xf32, #tpu.memory_space<hbm>>) dst(%dma_wait3A_20 : memref<128x128xf32, #tpu.memory_space<vmem>>)
      %dma_start3A_26 = arith.constant 128 : i32
      %dma_start3A_27 = arith.constant 0 : i32
      %dma_start3A_28 = tpu.memref_slice %arg7[%dma_start3A_26, %dma_start3A_27] : memref<200x128xf32, #tpu.memory_space<vmem>> -> memref<72x128xf32, #tpu.memory_space<vmem>>
      %dma_start3A_29 = arith.constant 128 : i32
      %dma_start3A_30 = tpu.memref_slice %arg6[%dma_start3A_29] : memref<200xi32, #tpu.memory_space<vmem>> -> memref<72xi32, #tpu.memory_space<vmem>>
      %dma_start3A_31 = arith.constant 0 : i32
      %dma_start3A_32 = arith.constant 0 : i32
      %dma_start3A_33 = tpu.memref_slice %arg3[%dma_start3A_31, %dma_start3A_32] : memref<100000x128xf32, #tpu.memory_space<hbm>> -> memref<100000x128xf32, #tpu.memory_space<hbm>>
      tpu.enqueue_indirect_dma source(%dma_start3A_33 : memref<100000x128xf32, #tpu.memory_space<hbm>>) target(%dma_start3A_28 : memref<72x128xf32, #tpu.memory_space<vmem>>) offsets(%dma_start3A_30 : memref<72xi32, #tpu.memory_space<vmem>>) semaphore(%arg9 : memref<!tpu.dma_semaphore, #tpu.memory_space<semaphore_mem>>)
      %dma_wait3A_34 = arith.constant 128 : i32
      %dma_wait3A_35 = arith.constant 0 : i32
      %dma_wait3A_36 = tpu.memref_slice %arg7[%dma_wait3A_34, %dma_wait3A_35] : memref<200x128xf32, #tpu.memory_space<vmem>> -> memref<72x128xf32, #tpu.memory_space<vmem>>
      %dma_wait3A_37 = arith.constant 128 : i32
      %dma_wait3A_38 = tpu.memref_slice %arg6[%dma_wait3A_37] : memref<200xi32, #tpu.memory_space<vmem>> -> memref<72xi32, #tpu.memory_space<vmem>>
      %dma_wait3A_39 = arith.constant 0 : i32
      %dma_wait3A_40 = arith.constant 0 : i32
      %dma_wait3A_41 = tpu.memref_slice %arg3[%dma_wait3A_39, %dma_wait3A_40] : memref<100000x128xf32, #tpu.memory_space<hbm>> -> memref<100000x128xf32, #tpu.memory_space<hbm>>
      tpu.wait_indirect_dma semaphore(%arg9 : memref<!tpu.dma_semaphore, #tpu.memory_space<semaphore_mem>>) src(%dma_wait3A_41 : memref<100000x128xf32, #tpu.memory_space<hbm>>) dst(%dma_wait3A_36 : memref<72x128xf32, #tpu.memory_space<vmem>>)
      %scan3A_42 = arith.constant 0 : i32
      %scan3A_43 = arith.constant 0 : i32
      %scan3A_44 = arith.constant 199 : i32
      %scan3A_45 = arith.addi %scan3A_43, %scan3A_44 : i32
      %scan3A_46 = arith.constant 1 : i32
      scf.for %scan3A_48 = %scan3A_43 to %scan3A_45 step %scan3A_46  : i32 {
        %sub3A = arith.constant 199 : i32
        %sub3A_49 = arith.subi %sub3A, %scan3A_48 : i32
        %get3A_50 = arith.index_cast %sub3A_49 : i32 to index
        %get3A_51 = arith.constant 0 : index
        %get3A_52 = tpu.vector_load %arg7[%get3A_50, %get3A_51] {strides = array<i32>} : memref<200x128xf32, #tpu.memory_space<vmem>>, vector<1x16xf32>,
        %get3A_53 = vector.shape_cast %get3A_52 : vector<1x16xf32> to vector<16xf32>
        %sub3A_54 = arith.constant 1 : i32
        %sub3A_55 = arith.subi %sub3A_49, %sub3A_54 : i32
        %get3A_56 = arith.index_cast %sub3A_55 : i32 to index
        %get3A_57 = arith.constant 0 : index
        %get3A_58 = tpu.vector_load %arg7[%get3A_56, %get3A_57] {strides = array<i32>} : memref<200x128xf32, #tpu.memory_space<vmem>>, vector<1x16xf32>,
        %get3A_59 = vector.shape_cast %get3A_58 : vector<1x16xf32> to vector<16xf32>
        %mul3A_60 = arith.mulf %get3A_2, %get3A_59 : vector<16xf32>
        %add3A_61 = arith.addf %get3A_53, %mul3A_60 : vector<16xf32>
        %swap3A = arith.index_cast %sub3A_49 : i32 to index
        %swap3A_62 = arith.constant 0 : index
        %swap3A_63 = tpu.vector_load %arg7[%swap3A, %swap3A_62] {strides = array<i32>} : memref<200x128xf32, #tpu.memory_space<vmem>>, vector<1x16xf32>,
        %swap3A_64 = vector.shape_cast %swap3A_63 : vector<1x16xf32> to vector<16xf32>
        %swap3A_65 = vector.shape_cast %add3A_61 : vector<16xf32> to vector<1x16xf32>
        tpu.vector_store %arg7[%swap3A, %swap3A_62], %swap3A_65 {strides = array<i32>} : memref<200x128xf32, #tpu.memory_space<vmem>>, vector<1x16xf32>,
        %get3A_66 = arith.index_cast %sub3A_49 : i32 to index
        %get3A_67 = arith.constant 16 : index
        %get3A_68 = tpu.vector_load %arg7[%get3A_66, %get3A_67] {strides = array<i32>} : memref<200x128xf32, #tpu.memory_space<vmem>>, vector<1x16xf32>,
        %get3A_69 = vector.shape_cast %get3A_68 : vector<1x16xf32> to vector<16xf32>
        %sub3A_70 = arith.constant 1 : i32
        %sub3A_71 = arith.subi %sub3A_49, %sub3A_70 : i32
        %get3A_72 = arith.index_cast %sub3A_71 : i32 to index
        %get3A_73 = arith.constant 16 : index
        %get3A_74 = tpu.vector_load %arg7[%get3A_72, %get3A_73] {strides = array<i32>} : memref<200x128xf32, #tpu.memory_space<vmem>>, vector<1x16xf32>,
        %get3A_75 = vector.shape_cast %get3A_74 : vector<1x16xf32> to vector<16xf32>
        %mul3A_76 = arith.mulf %get3A_2, %get3A_75 : vector<16xf32>
        %add3A_77 = arith.addf %get3A_69, %mul3A_76 : vector<16xf32>
        %swap3A_78 = arith.index_cast %sub3A_49 : i32 to index
        %swap3A_79 = arith.constant 16 : index
        %swap3A_80 = tpu.vector_load %arg7[%swap3A_78, %swap3A_79] {strides = array<i32>} : memref<200x128xf32, #tpu.memory_space<vmem>>, vector<1x16xf32>,
        %swap3A_81 = vector.shape_cast %swap3A_80 : vector<1x16xf32> to vector<16xf32>
        %swap3A_82 = vector.shape_cast %add3A_77 : vector<16xf32> to vector<1x16xf32>
        tpu.vector_store %arg7[%swap3A_78, %swap3A_79], %swap3A_82 {strides = array<i32>} : memref<200x128xf32, #tpu.memory_space<vmem>>, vector<1x16xf32>,
        %get3A_83 = arith.index_cast %sub3A_49 : i32 to index
        %get3A_84 = arith.constant 32 : index
        %get3A_85 = tpu.vector_load %arg7[%get3A_83, %get3A_84] {strides = array<i32>} : memref<200x128xf32, #tpu.memory_space<vmem>>, vector<1x16xf32>,
        %get3A_86 = vector.shape_cast %get3A_85 : vector<1x16xf32> to vector<16xf32>
        %sub3A_87 = arith.constant 1 : i32
        %sub3A_88 = arith.subi %sub3A_49, %sub3A_87 : i32
        %get3A_89 = arith.index_cast %sub3A_88 : i32 to index
        %get3A_90 = arith.constant 32 : index
        %get3A_91 = tpu.vector_load %arg7[%get3A_89, %get3A_90] {strides = array<i32>} : memref<200x128xf32, #tpu.memory_space<vmem>>, vector<1x16xf32>,
        %get3A_92 = vector.shape_cast %get3A_91 : vector<1x16xf32> to vector<16xf32>
        %mul3A_93 = arith.mulf %get3A_2, %get3A_92 : vector<16xf32>
        %add3A_94 = arith.addf %get3A_86, %mul3A_93 : vector<16xf32>
        %swap3A_95 = arith.index_cast %sub3A_49 : i32 to index
        %swap3A_96 = arith.constant 32 : index
        %swap3A_97 = tpu.vector_load %arg7[%swap3A_95, %swap3A_96] {strides = array<i32>} : memref<200x128xf32, #tpu.memory_space<vmem>>, vector<1x16xf32>,
        %swap3A_98 = vector.shape_cast %swap3A_97 : vector<1x16xf32> to vector<16xf32>
        %swap3A_99 = vector.shape_cast %add3A_94 : vector<16xf32> to vector<1x16xf32>
        tpu.vector_store %arg7[%swap3A_95, %swap3A_96], %swap3A_99 {strides = array<i32>} : memref<200x128xf32, #tpu.memory_space<vmem>>, vector<1x16xf32>,
        %get3A_100 = arith.index_cast %sub3A_49 : i32 to index
        %get3A_101 = arith.constant 48 : index
        %get3A_102 = tpu.vector_load %arg7[%get3A_100, %get3A_101] {strides = array<i32>} : memref<200x128xf32, #tpu.memory_space<vmem>>, vector<1x16xf32>,
        %get3A_103 = vector.shape_cast %get3A_102 : vector<1x16xf32> to vector<16xf32>
        %sub3A_104 = arith.constant 1 : i32
        %sub3A_105 = arith.subi %sub3A_49, %sub3A_104 : i32
        %get3A_106 = arith.index_cast %sub3A_105 : i32 to index
        %get3A_107 = arith.constant 48 : index
        %get3A_108 = tpu.vector_load %arg7[%get3A_106, %get3A_107] {strides = array<i32>} : memref<200x128xf32, #tpu.memory_space<vmem>>, vector<1x16xf32>,
        %get3A_109 = vector.shape_cast %get3A_108 : vector<1x16xf32> to vector<16xf32>
        %mul3A_110 = arith.mulf %get3A_2, %get3A_109 : vector<16xf32>
        %add3A_111 = arith.addf %get3A_103, %mul3A_110 : vector<16xf32>
        %swap3A_112 = arith.index_cast %sub3A_49 : i32 to index
        %swap3A_113 = arith.constant 48 : index
        %swap3A_114 = tpu.vector_load %arg7[%swap3A_112, %swap3A_113] {strides = array<i32>} : memref<200x128xf32, #tpu.memory_space<vmem>>, vector<1x16xf32>,
        %swap3A_115 = vector.shape_cast %swap3A_114 : vector<1x16xf32> to vector<16xf32>
        %swap3A_116 = vector.shape_cast %add3A_111 : vector<16xf32> to vector<1x16xf32>
        tpu.vector_store %arg7[%swap3A_112, %swap3A_113], %swap3A_116 {strides = array<i32>} : memref<200x128xf32, #tpu.memory_space<vmem>>, vector<1x16xf32>,
        %get3A_117 = arith.index_cast %sub3A_49 : i32 to index
        %get3A_118 = arith.constant 64 : index
        %get3A_119 = tpu.vector_load %arg7[%get3A_117, %get3A_118] {strides = array<i32>} : memref<200x128xf32, #tpu.memory_space<vmem>>, vector<1x16xf32>,
        %get3A_120 = vector.shape_cast %get3A_119 : vector<1x16xf32> to vector<16xf32>
        %sub3A_121 = arith.constant 1 : i32
        %sub3A_122 = arith.subi %sub3A_49, %sub3A_121 : i32
        %get3A_123 = arith.index_cast %sub3A_122 : i32 to index
        %get3A_124 = arith.constant 64 : index
        %get3A_125 = tpu.vector_load %arg7[%get3A_123, %get3A_124] {strides = array<i32>} : memref<200x128xf32, #tpu.memory_space<vmem>>, vector<1x16xf32>,
        %get3A_126 = vector.shape_cast %get3A_125 : vector<1x16xf32> to vector<16xf32>
        %mul3A_127 = arith.mulf %get3A_2, %get3A_126 : vector<16xf32>
        %add3A_128 = arith.addf %get3A_120, %mul3A_127 : vector<16xf32>
        %swap3A_129 = arith.index_cast %sub3A_49 : i32 to index
        %swap3A_130 = arith.constant 64 : index
        %swap3A_131 = tpu.vector_load %arg7[%swap3A_129, %swap3A_130] {strides = array<i32>} : memref<200x128xf32, #tpu.memory_space<vmem>>, vector<1x16xf32>,
        %swap3A_132 = vector.shape_cast %swap3A_131 : vector<1x16xf32> to vector<16xf32>
        %swap3A_133 = vector.shape_cast %add3A_128 : vector<16xf32> to vector<1x16xf32>
        tpu.vector_store %arg7[%swap3A_129, %swap3A_130], %swap3A_133 {strides = array<i32>} : memref<200x128xf32, #tpu.memory_space<vmem>>, vector<1x16xf32>,
        %get3A_134 = arith.index_cast %sub3A_49 : i32 to index
        %get3A_135 = arith.constant 80 : index
        %get3A_136 = tpu.vector_load %arg7[%get3A_134, %get3A_135] {strides = array<i32>} : memref<200x128xf32, #tpu.memory_space<vmem>>, vector<1x16xf32>,
        %get3A_137 = vector.shape_cast %get3A_136 : vector<1x16xf32> to vector<16xf32>
        %sub3A_138 = arith.constant 1 : i32
        %sub3A_139 = arith.subi %sub3A_49, %sub3A_138 : i32
        %get3A_140 = arith.index_cast %sub3A_139 : i32 to index
        %get3A_141 = arith.constant 80 : index
        %get3A_142 = tpu.vector_load %arg7[%get3A_140, %get3A_141] {strides = array<i32>} : memref<200x128xf32, #tpu.memory_space<vmem>>, vector<1x16xf32>,
        %get3A_143 = vector.shape_cast %get3A_142 : vector<1x16xf32> to vector<16xf32>
        %mul3A_144 = arith.mulf %get3A_2, %get3A_143 : vector<16xf32>
        %add3A_145 = arith.addf %get3A_137, %mul3A_144 : vector<16xf32>
        %swap3A_146 = arith.index_cast %sub3A_49 : i32 to index
        %swap3A_147 = arith.constant 80 : index
        %swap3A_148 = tpu.vector_load %arg7[%swap3A_146, %swap3A_147] {strides = array<i32>} : memref<200x128xf32, #tpu.memory_space<vmem>>, vector<1x16xf32>,
        %swap3A_149 = vector.shape_cast %swap3A_148 : vector<1x16xf32> to vector<16xf32>
        %swap3A_150 = vector.shape_cast %add3A_145 : vector<16xf32> to vector<1x16xf32>
        tpu.vector_store %arg7[%swap3A_146, %swap3A_147], %swap3A_150 {strides = array<i32>} : memref<200x128xf32, #tpu.memory_space<vmem>>, vector<1x16xf32>,
        %get3A_151 = arith.index_cast %sub3A_49 : i32 to index
        %get3A_152 = arith.constant 96 : index
        %get3A_153 = tpu.vector_load %arg7[%get3A_151, %get3A_152] {strides = array<i32>} : memref<200x128xf32, #tpu.memory_space<vmem>>, vector<1x16xf32>,
        %get3A_154 = vector.shape_cast %get3A_153 : vector<1x16xf32> to vector<16xf32>
        %sub3A_155 = arith.constant 1 : i32
        %sub3A_156 = arith.subi %sub3A_49, %sub3A_155 : i32
        %get3A_157 = arith.index_cast %sub3A_156 : i32 to index
        %get3A_158 = arith.constant 96 : index
        %get3A_159 = tpu.vector_load %arg7[%get3A_157, %get3A_158] {strides = array<i32>} : memref<200x128xf32, #tpu.memory_space<vmem>>, vector<1x16xf32>,
        %get3A_160 = vector.shape_cast %get3A_159 : vector<1x16xf32> to vector<16xf32>
        %mul3A_161 = arith.mulf %get3A_2, %get3A_160 : vector<16xf32>
        %add3A_162 = arith.addf %get3A_154, %mul3A_161 : vector<16xf32>
        %swap3A_163 = arith.index_cast %sub3A_49 : i32 to index
        %swap3A_164 = arith.constant 96 : index
        %swap3A_165 = tpu.vector_load %arg7[%swap3A_163, %swap3A_164] {strides = array<i32>} : memref<200x128xf32, #tpu.memory_space<vmem>>, vector<1x16xf32>,
        %swap3A_166 = vector.shape_cast %swap3A_165 : vector<1x16xf32> to vector<16xf32>
        %swap3A_167 = vector.shape_cast %add3A_162 : vector<16xf32> to vector<1x16xf32>
        tpu.vector_store %arg7[%swap3A_163, %swap3A_164], %swap3A_167 {strides = array<i32>} : memref<200x128xf32, #tpu.memory_space<vmem>>, vector<1x16xf32>,
        %get3A_168 = arith.index_cast %sub3A_49 : i32 to index
        %get3A_169 = arith.constant 112 : index
        %get3A_170 = tpu.vector_load %arg7[%get3A_168, %get3A_169] {strides = array<i32>} : memref<200x128xf32, #tpu.memory_space<vmem>>, vector<1x16xf32>,
        %get3A_171 = vector.shape_cast %get3A_170 : vector<1x16xf32> to vector<16xf32>
        %sub3A_172 = arith.constant 1 : i32
        %sub3A_173 = arith.subi %sub3A_49, %sub3A_172 : i32
        %get3A_174 = arith.index_cast %sub3A_173 : i32 to index
        %get3A_175 = arith.constant 112 : index
        %get3A_176 = tpu.vector_load %arg7[%get3A_174, %get3A_175] {strides = array<i32>} : memref<200x128xf32, #tpu.memory_space<vmem>>, vector<1x16xf32>,
        %get3A_177 = vector.shape_cast %get3A_176 : vector<1x16xf32> to vector<16xf32>
        %mul3A_178 = arith.mulf %get3A_2, %get3A_177 : vector<16xf32>
        %add3A_179 = arith.addf %get3A_171, %mul3A_178 : vector<16xf32>
        %swap3A_180 = arith.index_cast %sub3A_49 : i32 to index
        %swap3A_181 = arith.constant 112 : index
        %swap3A_182 = tpu.vector_load %arg7[%swap3A_180, %swap3A_181] {strides = array<i32>} : memref<200x128xf32, #tpu.memory_space<vmem>>, vector<1x16xf32>,
        %swap3A_183 = vector.shape_cast %swap3A_182 : vector<1x16xf32> to vector<16xf32>
        %swap3A_184 = vector.shape_cast %add3A_179 : vector<16xf32> to vector<1x16xf32>
        tpu.vector_store %arg7[%swap3A_180, %swap3A_181], %swap3A_184 {strides = array<i32>} : memref<200x128xf32, #tpu.memory_space<vmem>>, vector<1x16xf32>,
      }
      %scan3A_47 = arith.constant 199 : i32
      "tpu.region"() ({
        %run_scoped3A = tpu.sem_alloc : memref<!tpu.dma_semaphore, #tpu.memory_space<semaphore_mem>>
        %dma_start3A_48 = arith.constant 0 : i32
        %dma_start3A_49 = arith.constant 0 : i32
        %dma_start3A_50 = tpu.memref_slice %arg5[%add3A_11, %dma_start3A_48, %dma_start3A_49] : memref<1024x200x128xf32, #tpu.memory_space<hbm>> -> memref<1x200x128xf32, #tpu.memory_space<hbm>>
        %dma_start3A_51 = tpu.memref_squeeze %dma_start3A_50 : memref<1x200x128xf32, #tpu.memory_space<hbm>> -> memref<200x128xf32, #tpu.memory_space<hbm>>
        %dma_start3A_52 = arith.constant 0 : i32
        %dma_start3A_53 = arith.constant 0 : i32
        %dma_start3A_54 = tpu.memref_slice %arg5[%add3A_11, %dma_start3A_52, %dma_start3A_53] : memref<1024x200x128xf32, #tpu.memory_space<hbm>> -> memref<1x200x128xf32, #tpu.memory_space<hbm>>
        %dma_start3A_55 = tpu.memref_squeeze %dma_start3A_54 : memref<1x200x128xf32, #tpu.memory_space<hbm>> -> memref<200x128xf32, #tpu.memory_space<hbm>>
        tpu.enqueue_dma source(%arg7 : memref<200x128xf32, #tpu.memory_space<vmem>>) target(%dma_start3A_55 : memref<200x128xf32, #tpu.memory_space<hbm>>) target_semaphore(%run_scoped3A : memref<!tpu.dma_semaphore, #tpu.memory_space<semaphore_mem>>)
        %dma_wait3A_56 = arith.constant 0 : i32
        %dma_wait3A_57 = arith.constant 0 : i32
        %dma_wait3A_58 = tpu.memref_slice %arg5[%add3A_11, %dma_wait3A_56, %dma_wait3A_57] : memref<1024x200x128xf32, #tpu.memory_space<hbm>> -> memref<1x200x128xf32, #tpu.memory_space<hbm>>
        %dma_wait3A_59 = tpu.memref_squeeze %dma_wait3A_58 : memref<1x200x128xf32, #tpu.memory_space<hbm>> -> memref<200x128xf32, #tpu.memory_space<hbm>>
        %dma_wait3A_60 = arith.constant 0 : i32
        %dma_wait3A_61 = arith.constant 0 : i32
        %dma_wait3A_62 = tpu.memref_slice %arg5[%add3A_11, %dma_wait3A_60, %dma_wait3A_61] : memref<1024x200x128xf32, #tpu.memory_space<hbm>> -> memref<1x200x128xf32, #tpu.memory_space<hbm>>
        %dma_wait3A_63 = tpu.memref_squeeze %dma_wait3A_62 : memref<1x200x128xf32, #tpu.memory_space<hbm>> -> memref<200x128xf32, #tpu.memory_space<hbm>>
        tpu.wait_dma2 semaphore(%run_scoped3A : memref<!tpu.dma_semaphore, #tpu.memory_space<semaphore_mem>>) src(%arg7 : memref<200x128xf32, #tpu.memory_space<vmem>>) dst(%dma_wait3A_63 : memref<200x128xf32, #tpu.memory_space<hbm>>)
        tpu.yield
      }) : () -> ()
    }
    %scan3A_7 = arith.constant 32 : i32
    return
  }
}

</mosaic_0001>

<sc_bundles>
// kernel: kernel.3.cloned.1.call-start
scs
__scs_entry_jumppad:
0x0: {  	(pc) =	sbr.rel $0x88, $3  }
0x1: {  	(tag) =	ssettag $0x0;
	lr =	simm.s32 $0x1  }
0x2: {  	[smem:$0x3F9E] =	sst lr;
	_ =	strace $0xD0000000  }
0x3: {  	_ = 	snop  }
0x4: {  	_ = 	snop  }
0x5: {  	_ = 	snop  }
0x6: {  	_ = 	snop  }
0x7: {  	_ = 	snop  }
__scs_overlays_trampoline_lowered:
0x8: {  	[smem:$0x3FAD] =	sst s0  }
0x9: {  	[smem:$0x3FAE] =	sst s1  }
0xa: {  	[smem:$0x3FAF] =	sst s2  }
0xb: {  	[smem:$0x3FB0] =	sst s3  }
0xc: {  	[smem:$0x3FB1] =	sst s4  }
0xd: {  	[smem:$0x3FB2] =	sst s5  }
0xe: {  	[smem:$0x3FB3] =	sst s6  }
0xf: {  	[smem:$0x3FB4] =	sst s7  }
0x10: {  	[smem:$0x3FB5] =	sst s8  }
0x11: {  	[smem:$0x3FB6] =	sst s9;
	s0 =	simm.s32 @!p0 $0x0  }
0x12: {  	s1 =	sld [smem:$0x3F9C];
	s0 =	simm.s32 @p0 $0x1  }
0x13: {  	[smem:$0x3FB7] =	sst s0;
	s0 =	simm.s32 @!p1 $0x0  }
0x14: {  	s2 =	sld [smem:$0x3F9B];
	s0 =	simm.s32 @p1 $0x1  }
0x15: {  	[smem:$0x3FB8] =	sst s0;
	s0 =	simm.s32 @!p2 $0x0  }
0x16: {  	s3 =	sld [smem:$0x3FDB];
	s0 =	simm.s32 @p2 $0x1  }
0x17: {  	s4 =	simm.s32 $0x1BF5;
	[smem:$0x3FBA] =	sst s0  }
0x18: {  	s0 =	sld [smem:$0x3F9D];
	_ =	swait.ge [sflag:s4], $0x0  }
0x19: {  	s7 =	sld [smem:$0x3F9E]  }
0x1a: {  	s8 =	sadd.s32 $0xFFFFE003, lr  }
0x1b: {  	s9 =	sadd.s32 $0xFFFFFEF7, lr;
	s5 =	simm.s32 $0xFFFFFFFF;
	p2 =	slt.u32 s8, $0xFFFFF086  }
0x1c: {  	p1 =	slt.u32 s9, $0xF7A;
	s5 =	simm.s32 @!p2 $0x0  }
0x1d: {  	s5 =	simm.s32 @p1 $0x1;
	p0 =	seq.s32 s7, s2  }
0x1e: {  	s7 =	smul.u32 @!p0 $0xF7A, s2;
	p2 =	seq.s32 @!p0 s5, $0x0  }
0x1f: {  	s9 =	smul.u32 $0xF7A, s1;
	s8 =	simm.s32 @!p0 $0x1BF5;
	p2 =	por !p2, p0  }
0x20: {  	[sflag:s8] =	ssyncset.s32 @!p0 $0xFFFFF086;
	s6 =	sadd.s32 @!p0 s3, s7;
	s7 =	simm.s32 @!p0 $0x108  }
0x21: {  	s3 =	sadd.s32 s3, s9;
	s6 =	sadd.s32 @!p0 $0x88, s6;
	s7 =	simm.s32 @p2 $0x1082  }
0x22: {  	[simem:s7], [sflag:s8] =	dma.local @!p0 [hbm:s6], $0xF7A  }
0x23: {  	s9 =	sor.u32 $0xD0000000, s2;
	s6 =	simm.s32 $0x108;
	_ =	swait.ge @!p0 [sflag:s8], $0x0  }
0x24: {  	s3 =	sadd.s32 $0x88, s3;
	s6 =	simm.s32 @!p1 $0x1082;
	[sflag:s4] =	ssyncset.s32 $0xFFFFF086  }
0x25: {  	[simem:s6], [sflag:s4] =	dma.local [hbm:s3], $0xF7A  }
0x26: {  	[smem:$0x3F9E] =	sst s1;
	(tag) =	ssettag s2;
	_ =	strace s9  }
0x27: {  	s1 =	sld [smem:$0x3FAE]  }
0x28: {  	s2 =	sld [smem:$0x3FAF]  }
0x29: {  	s4 =	sld [smem:$0x3FB1]  }
0x2a: {  	p0 =	seq.s32 s5, $0x0;
	s5 =	sld [smem:$0x3FB2]  }
0x2b: {  	s6 =	sld [smem:$0x3FB3]  }
0x2c: {  	s7 =	sld [smem:$0x3FB4]  }
0x2d: {  	s3 =	simm.s32 $0x108;
	s8 =	sld [smem:$0x3FB5]  }
0x2e: {  	s3 =	simm.s32 @!p0 $0x1082;
	s9 =	sld [smem:$0x3FB6]  }
0x2f: {  	lr =	sadd.s32 s0, s3;
	s0 =	sld [smem:$0x3FAD]  }
0x30: {  	s3 =	sld [smem:$0x3FB0]  }
0x31: {  	[smem:$0x3FB9] =	sst s10  }
0x32: {  	s10 =	sld [smem:$0x3FB7];
	_ =	sdelay $0x3  }
0x33: {  	p0 =	seq.s32 s10, $0x1;
	s10 =	sld [smem:$0x3FB9];
	_ =	sdelay $0x3  }
0x34: {  	[smem:$0x3FB9] =	sst s10  }
0x35: {  	s10 =	sld [smem:$0x3FB8];
	_ =	sdelay $0x3  }
0x36: {  	p1 =	seq.s32 s10, $0x1;
	s10 =	sld [smem:$0x3FB9];
	_ =	sdelay $0x3  }
0x37: {  	[smem:$0x3FB9] =	sst s10  }
0x38: {  	s10 =	sld [smem:$0x3FBA]  }
0x39: {  	_ = 	snop;
	(pc) =	sbr.ind lr, $3  }
0x3a: {  	_ = 	snop  }
0x3b: {  	_ = 	snop  }
0x3c: {  	p2 =	seq.s32 s10, $0x1;
	s10 =	sld [smem:$0x3FB9]  }
0x3d: {  	_ =	shalt  }
0x3e: {  	_ =	shalt  }
0x3f: {  	_ =	shalt  }
0x40: {  	_ =	shalt  }
0x41: {  	_ =	shalt  }
0x42: {  	_ =	shalt  }
0x43: {  	_ =	shalt  }
0x44: {  	_ =	shalt  }
0x45: {  	_ =	shalt  }
0x46: {  	_ =	shalt  }
0x47: {  	_ =	shalt  }
0x48: {  	_ =	shalt  }
0x49: {  	_ =	shalt  }
0x4a: {  	_ =	shalt  }
0x4b: {  	_ =	shalt  }
0x4c: {  	_ =	shalt  }
0x4d: {  	_ =	shalt  }
0x4e: {  	_ =	shalt  }
0x4f: {  	_ =	shalt  }
0x50: {  	_ =	shalt  }
0x51: {  	_ =	shalt  }
0x52: {  	_ =	shalt  }
0x53: {  	_ =	shalt  }
0x54: {  	_ =	shalt  }
0x55: {  	_ =	shalt  }
0x56: {  	_ =	shalt  }
0x57: {  	_ =	shalt  }
0x58: {  	_ =	shalt  }
0x59: {  	_ =	shalt  }
0x5a: {  	_ =	shalt  }
0x5b: {  	_ =	shalt  }
0x5c: {  	_ =	shalt  }
0x5d: {  	_ =	shalt  }
0x5e: {  	_ =	shalt  }
0x5f: {  	_ =	shalt  }
0x60: {  	_ =	shalt  }
0x61: {  	_ =	shalt  }
0x62: {  	_ =	shalt  }
0x63: {  	_ =	shalt  }
0x64: {  	_ =	shalt  }
0x65: {  	_ =	shalt  }
0x66: {  	_ =	shalt  }
0x67: {  	_ =	shalt  }
0x68: {  	_ =	shalt  }
0x69: {  	_ =	shalt  }
0x6a: {  	_ =	shalt  }
0x6b: {  	_ =	shalt  }
0x6c: {  	_ =	shalt  }
0x6d: {  	_ =	shalt  }
0x6e: {  	_ =	shalt  }
0x6f: {  	_ =	shalt  }
0x70: {  	_ =	shalt  }
0x71: {  	_ =	shalt  }
0x72: {  	_ =	shalt  }
0x73: {  	_ =	shalt  }
0x74: {  	_ =	shalt  }
0x75: {  	_ =	shalt  }
0x76: {  	_ =	shalt  }
0x77: {  	_ =	shalt  }
0x78: {  	_ =	shalt  }
0x79: {  	_ =	shalt  }
0x7a: {  	_ =	shalt  }
0x7b: {  	_ =	shalt  }
0x7c: {  	_ =	shalt  }
0x7d: {  	_ =	shalt  }
0x7e: {  	_ =	shalt  }
0x7f: {  	_ =	shalt  }
0x80: {  	_ =	shalt  }
0x81: {  	_ =	shalt  }
0x82: {  	_ =	shalt  }
0x83: {  	_ =	shalt  }
0x84: {  	_ =	shalt  }
0x85: {  	_ =	shalt  }
0x86: {  	_ =	shalt  }
0x87: {  	_ =	shalt  }
.Lfunc_end0:
.L_simem_size_0:
called_computation_lowered:
.L_overlay_start_0:
0x88: {  	s2 =	sld [smem:$0x3FD9]  }
0x89: {  	s3 =	sld [smem:$0x3FFE];
	_ =	sdelay $0x1  }
0x8a: {  	s1 =	srdreg.scid  }
0x8b: {  	s0 =	sand.u32 $0x1, s1  }
0x8c: {  	s17 =	sshll.u32 s0, $0xA;
	s2 =	sadd.s32 s3, s2  }
0x8d: {  	s2 =	sadd.s32 s2, s17  }
0x8e: {  	[smem:$0x3FC5] =	sst s2  }
0x8f: {  	_ = 	snop  }
0x90: {  	s2 =	sld [smem:$0x3FC8]  }
0x91: {  	s18 =	sld [smem:$0x3FD0];
	(tm) =	ssettm $0x1  }
0x92: {  	s4 =	sld [smem:$0x3FFB];
	_ =	sdelay $0x3  }
0x93: {  	_ =	strace s4  }
0x94: {  	s4 =	sld [smem:$0x3FFC];
	_ =	sdelay $0x3  }
0x95: {  	_ =	strace s4  }
0x96: {  	s4 =	sld [smem:$0x3FFD];
	_ =	sdelay $0x3  }
0x97: {  	_ =	strace s4  }
0x98: {  	_ =	strace $0x8FFFFFFF  }
0x99: {  	s19 =	sld [smem:$0x3FDB];
	_ =	sdelay $0x1  }
0x9a: {  	s5 =	simm.s32 $_scs_section_size  }
0x9b: {  	s6 =	simm.s32 $_size__tile_overlayer_lowered;
	s7 =	simm.s32 $_tile_overlayer_lowered  }
0x9c: {  	s22 =	simm.s32 $0x1BFF;
	s21 =	sshll.u32 s7, $0x1;
	s4 =	sadd.s32 s5, s19  }
0x9d: {  	s8 =	simm.s32 $0x0;
	s20 =	sshll.u32 s6, $0x1;
	s6 =	sadd.s32 s21, s4  }
0x9e: {  	[timem:s8], [sflag:s22] =	dma.local [hbm:s6], s20  }
0x9f: {  	_ =	swait.ge [sflag:s22], s20  }
0xa0: {  	s5 =	ssub.s32 $0x0, s20;
	[sflag:s22] =	ssyncset.done $0x0  }
0xa1: {  	[sflag:s22] =	ssyncadd.s32 s5;
	_ =	sdelay $0x1  }
0xa2: {  	s23 =	simm.s32 $0x1B8B  }
0xa3: {  	_ =	swait.ge [sflag:s23], $0x1  }
0xa4: {  	[sflag:s23] =	ssyncset.done $0x0  }
0xa5: {  	s25 =	simm.s32 $0x1B8E;
	s24 =	sld [smem:$0x3FFE];
	[sflag:s23] =	ssyncadd.s32 $0xFFFFFFFF  }
0xa6: {  	s26 =	simm.s32 $execute0_lowered;
	[smem:$0x3FD2] =	sst s25  }
0xa7: {  	s6 =	sshll.u32 s26, $0x1;
	_ =	strace $0x80000046;
	[dreg:$0x1] =	wrdreg $0xFFFFFFFF  }
0xa8: {  	s28 =	simm.s32 $_size_execute0_lowered;
	s4 =	sadd.s32 s4, s6;
	[dreg:$0x0] =	wrdreg $0x0  }
0xa9: {  	s6 =	sshll.u32 s28, $0x1;
	[dreg:$0x2] =	wrdreg s4  }
0xaa: {  	[dreg:$0x3] =	wrdreg s6  }
0xab: {  	[dreg:$0x4] =	wrdreg $0xC0  }
0xac: {  	_ =	task [dreg:s8], $0x5FFFF  }
0xad: {  	[dreg:$0x1] =	wrdreg $0xFFFFFFFF  }
0xae: {  	[dreg:$0x0] =	wrdreg $0x60  }
0xaf: {  	[dreg:$0x2] =	wrdreg s24  }
0xb0: {  	[dreg:$0x3] =	wrdreg s2  }
0xb1: {  	[dreg:$0x4] =	wrdreg s18  }
0xb2: {  	[dreg:$0x5] =	wrdreg $0x9  }
0xb3: {  	_ =	task.clear_ibuf [dreg:s8], $0x6FFFF;
	_ =	strace $0x90000046  }
0xb4: {  	s29 =	simm.s32 $0x9;
	_ =	strace $0x80000048  }
0xb5: {  	_ =	swait.ge [sflag:s29], $0x1  }
0xb6: {  	[sflag:s29] =	ssyncadd.s32 $0xFFFFFFFF  }
0xb7: {  	_ =	strace $0x90000048  }
0xb8: {  	_ =	sfence  }
0xb9: {  	s30 =	sld [smem:$0x0];
	_ =	sdelay $0x2  }
0xba: {  	s31 =	sshll.u32 s1, $0xD;
	s1 =	sshrl.u32 s1, $0x2  }
0xbb: {  	s3 =	sand.u32 $0x4000, s31;
	s1 =	sadd.s32 s1, s30  }
0xbc: {  	s0 =	sor.u32 s3, s0;
	s1 =	sshll.u32 s1, $0x11  }
0xbd: {  	s0 =	sor.u32 s1, s0  }
0xbe: {  	s0 =	sadd.s32 $0x8F2B, s0  }
0xbf: {  	[sflag:s0] =	ssyncadd.remote.s32 $0x1  }
0xc0: {  	_ =	sfence.sel $0xFFFF  }
0xc1: {  	[dreg:$0x0] =	wrdreg $0xFFFFFFFF;
	(pc) =	sbr.abs _section_cstart, $3  }
0xc2: {  	[dreg:$0x1] =	wrdreg $0xFFFFFFFF  }
0xc3: {  	_ =	task.clear_ibuf [dreg:s8], $0x2FFFF;
	_ =	strace $0x9FFFFFFF  }
0xc4: {  	(tm) =	ssettm $0x7FFFFFFF  }
0xc5: {  	_ =	shalt  }
tec
execute0_lowered:
.L_overlay_start_1:
0x0: {  	(tag) =	ssettag $0x1  }
0x1: {  	s6 =	rddreg [dreg:$0x0]  }
0x2: {  	s1 =	rddreg [dreg:$0x1]  }
0x3: {  	s2 =	rddreg [dreg:$0x2]  }
0x4: {  	s0 =	rddreg [dreg:$0x3]  }
0x5: {  	s3 =	simm.s32 $0x0;
	s4 =	srdreg.scid;
	s10 =	simm.s32 $0x2  }
0x6: {  	s11 =	simm.s32 $0x80;
	s12 =	simm.s32 $0x400;
	s13 =	simm.s32 $0x100  }
0x7: {  	s14 =	simm.s32 $0x1;
	s15 =	simm.s32 $0x48;
	s16 =	simm.s32 $0x4100  }
0x8: {  	s17 =	simm.s32 $0x0;
	[smem:$0x7FF] =	sst s3;
	s7 =	sand.u32 $0x1, s4  }
0x9: {  	s5 =	sadd.s32 $0x400, s6;
	s4 =	stileid.u32;
	s8 =	ssub.s32 $0x2, s7  }
0xa: {  	s6 =	sadd.s32 $0x8400, s6;
	_ =	strace $0x80000047;
	s9 =	sshrl.u32 s8, $0x1  }
0xb: {  	s31 =	sshll.u32 s4, $0x6;
	s7 =	sshll.u32 s7, $0x5;
	s8 =	ssub.s32 s8, s9  }
0xc: {  	s7 =	sor.u32 s7, s31;
	s9 =	simm.s32 $0x6500;
	s8 =	smax.u32 s8, $0x1  }
.LBB2_1:
0xd: {  	[tilespmem:s9], [sflag:$0x2] =	stream.linear.gather [hbm4b:s6+s3], $0x80, $0x38;
	[tilespmem:$0x6580] =	vst v63  }
0xe: {  	_ =	swait.ge [sflag:s10], $0x80  }
0xf: {  	[sflag:s10] =	ssyncset.done $0x0  }
0x10: {  	[sflag:s10] =	ssyncadd.s32 $0xFFFFFF80  }
0x11: {  	v0 =	vld [tilespmem:$0x6500];
	_ =	sdelay $0x3  }
0x12: {  	s18 =	simm.s32 $0x0  }
.LBB2_2:
0x13: {  	s19 =	sadd.s32 s7, s18;
	s20 =	sshll.u32 s18, $0x4  }
0x14: {  	s21 =	sshll.u32 s19, $0x5;
	s20 =	sand.u32 $0x70, s20  }
0x15: {  	s21 =	sand.u32 $0x7F00, s21;
	s20 =	sadd.s32 s5, s20  }
0x16: {  	s31 =	simm.s32 $0x0;
	s20 =	sadd.s32 s21, s20  }
0x17: {  	[tilespmem:s31], [sflag:$0x2] =	stream.strided.gather [hbm4b:s20+s11], $0x100, s12, s11, $0x38;
	[tilespmem:$0x6580] =	vst v63  }
0x18: {  	_ =	swait.ge [sflag:s10], $0x100  }
0x19: {  	[sflag:s10] =	ssyncset.done $0x0  }
0x1a: {  	[sflag:s10] =	ssyncadd.s32 $0xFFFFFF00  }
0x1b: {  	[tilespmem:s13], [sflag:$0x1] =	stream.indirect.gather [hbm4b:s1+s11], $0x80, s31, s11, $0xb8;
	[tilespmem:$0x6580] =	vst v63  }
0x1c: {  	_ =	swait.ge [sflag:s14], $0x4000  }
0x1d: {  	[sflag:s14] =	ssyncset.done $0x0  }
0x1e: {  	[sflag:s14] =	ssyncadd.s32 $0xFFFFC000  }
0x1f: {  	[tilespmem:s16], [sflag:$0x1] =	stream.indirect.gather [hbm4b:s1+s15], $0x80, s11, s15, $0xb8;
	[tilespmem:$0x6580] =	vst v63  }
0x20: {  	_ =	swait.ge [sflag:s14], $0x2400  }
0x21: {  	[sflag:s14] =	ssyncset.done $0x0  }
0x22: {  	s20 =	simm.s32 $0x0;
	[sflag:s14] =	ssyncadd.s32 $0xFFFFDC00  }
0x23: {  	v7 =	vld [tilespmem:s20+$0x6400]  }
0x24: {  	v12 =	vld [tilespmem:s20+$0x6410]  }
0x25: {  	v6 =	vld [tilespmem:s20+$0x6420]  }
0x26: {  	v5 =	vld [tilespmem:s20+$0x6430]  }
0x27: {  	v4 =	vld [tilespmem:s20+$0x6440]  }
0x28: {  	v3 =	vld [tilespmem:s20+$0x6450]  }
0x29: {  	v2 =	vld [tilespmem:s20+$0x6460]  }
0x2a: {  	v1 =	vld [tilespmem:s20+$0x6470]  }
0x2b: {  	v11 =	vld [tilespmem:s20+$0x6480]  }
0x2c: {  	v10 =	vld [tilespmem:s20+$0x6490]  }
0x2d: {  	v9 =	vld [tilespmem:s20+$0x64A0]  }
0x2e: {  	v8 =	vld [tilespmem:s20+$0x64B0];
	v13 =	vmul.f32 v7, v0  }
0x2f: {  	s21 =	simm.s32 $0xFFFFFE00;
	v12 =	vmul.f32 v12, v0;
	v7 =	vld [tilespmem:s20+$0x64C0]  }
.LBB2_3:
0x30: {  	p0 =	sne.s32 s21, $0xFFFE7400;
	v11 =	vadd.f32 v13, v11;
	v6 =	vmul.f32 v6, v0;
	v13 =	vld [tilespmem:s20+$0x64D0]  }
0x31: {  	v5 =	vmul.f32 v5, v0;
	v10 =	vadd.f32 v12, v10;
	v12 =	vld [tilespmem:s20+$0x64E0]  }
0x32: {  	s22 =	sshra.s32 s21, $0x2;
	v4 =	vmul.f32 v4, v0;
	[tilespmem:s20+$0x6480] =	vst v11;
	v6 =	vadd.f32 v6, v9;
	v9 =	vld [tilespmem:s20+$0x64F0]  }
0x33: {  	v3 =	vmul.f32 v3, v0;
	v14 =	vld [tilespmem:s22+$0x6400];
	[tilespmem:s20+$0x6490] =	vst v10;
	v5 =	vadd.f32 v5, v8  }
0x34: {  	v2 =	vmul.f32 v2, v0;
	v15 =	vld [tilespmem:s22+$0x6410];
	[tilespmem:s20+$0x64A0] =	vst v6;
	v4 =	vadd.f32 v4, v7  }
0x35: {  	v1 =	vmul.f32 v1, v0;
	v6 =	vld [tilespmem:s22+$0x6420];
	[tilespmem:s20+$0x64B0] =	vst v5;
	v3 =	vadd.f32 v3, v13  }
0x36: {  	v5 =	vld [tilespmem:s22+$0x6430];
	[tilespmem:s20+$0x64C0] =	vst v4;
	v2 =	vadd.f32 v2, v12  }
0x37: {  	v4 =	vld [tilespmem:s22+$0x6440];
	[tilespmem:s20+$0x64D0] =	vst v3;
	v1 =	vadd.f32 v1, v9  }
0x38: {  	v3 =	vld [tilespmem:s22+$0x6450];
	[tilespmem:s20+$0x64E0] =	vst v2  }
0x39: {  	v2 =	vld [tilespmem:s22+$0x6460];
	[tilespmem:s20+$0x64F0] =	vst v1;
	s20 =	smov.u32 s22  }
0x3a: {  	v1 =	vld [tilespmem:s20+$0x6470]  }
.Ltmp0:
0x3b: {  	v11 =	vld [tilespmem:s20+$0x6480];
	(pc) =	sbr.rel @p0 .LBB2_3-.Ltmp0, $4  }
0x3c: {  	v10 =	vld [tilespmem:s20+$0x6490]  }
0x3d: {  	v9 =	vld [tilespmem:s20+$0x64A0]  }
0x3e: {  	v13 =	vmul.f32 v14, v0;
	v8 =	vld [tilespmem:s20+$0x64B0]  }
0x3f: {  	s21 =	sadd.s32 $0xFFFFFE00, s21;
	v12 =	vmul.f32 v15, v0;
	v7 =	vld [tilespmem:s20+$0x64C0]  }
0x40: {  	v11 =	vadd.f32 v13, v11;
	v62 =	vld [tilespmem:s20+$0x64D0];
	v6 =	vmul.f32 v6, v0  }
0x41: {  	v14 =	vld [tilespmem:s20+$0x64E0];
	v5 =	vmul.f32 v5, v0;
	v10 =	vadd.f32 v12, v10  }
0x42: {  	v4 =	vmul.f32 v4, v0;
	v63 =	vld [tilespmem:s20+$0x64F0];
	[tilespmem:s20+$0x6480] =	vst v11;
	v6 =	vadd.f32 v6, v9  }
0x43: {  	v3 =	vmul.f32 v3, v0;
	[tilespmem:s20+$0x6490] =	vst v10;
	v5 =	vadd.f32 v5, v8  }
0x44: {  	v2 =	vmul.f32 v2, v0;
	[tilespmem:s20+$0x64A0] =	vst v6;
	v4 =	vadd.f32 v4, v7  }
0x45: {  	v1 =	vmul.f32 v1, v0;
	[tilespmem:s20+$0x64B0] =	vst v5;
	v3 =	vadd.f32 v3, v62  }
0x46: {  	v2 =	vadd.f32 v2, v14;
	[tilespmem:s20+$0x64C0] =	vst v4  }
0x47: {  	s19 =	smul.u32 $0xC80, s19;
	s18 =	sadd.s32 $0x1, s18;
	v1 =	vadd.f32 v1, v63;
	[tilespmem:s20+$0x64D0] =	vst v3  }
0x48: {  	p0 =	sne.s32 s18, $0x20;
	[tilespmem:s20+$0x64E0] =	vst v2  }
.Ltmp1:
0x49: {  	s19 =	sadd.s32 s2, s19;
	[tilespmem:s20+$0x64F0] =	vst v1;
	(pc) =	sbr.rel @p0 .LBB2_2-.Ltmp1, $4  }
0x4a: {  	[hbm4b:s19+s3] =	stream.linear.scatter [tilespmem:s13], [sflag:$0x2], $0x6400, $0x38;
	[tilespmem:$0x6580] =	vst v63  }
0x4b: {  	_ =	swait.ge [sflag:s10], $0x6400  }
0x4c: {  	[sflag:s10] =	ssyncset.done $0x0  }
0x4d: {  	[sflag:s10] =	ssyncadd.s32 $0xFFFF9C00  }
0x4e: {  	s17 =	sadd.s32 $0x1, s17  }
0x4f: {  	p0 =	sne.s32 s17, s8  }
.Ltmp2:
0x50: {  	_ = 	snop;
	(pc) =	sbr.rel @p0 .LBB2_1-.Ltmp2, $1  }
0x51: {  	_ =	sdelay $0x3  }
0x52: {  	_ =	sfence.sel $0x180000  }
0x53: {  	[bflag:$0x0] =	sbarrier.arrive $0xFFFF  }
0x54: {  	p0 =	sne.s32 s4, $0x0;
	_ =	strace $0x90000047  }
0x55: {  	s0 =	sadd.s32 @!p0 $0x100000, s0;
	[bflag:$0x2] =	sbarrier.arrive $0xFFFF  }
0x56: {  	[sflag:s0] =	ssyncadd.tile.s32 @!p0 $0x1;
	_ =	shalt  }
.Lfunc_end2:
_tile_overlayer_lowered:
.L_overlay_start_2:
0x57: {  	(tag) =	ssettag $0x2  }
0x58: {  	s0 =	rddreg [dreg:$0x0];
	s2 =	stileid.u32  }
0x59: {  	s1 =	rddreg [dreg:$0x1];
	p0 =	sne.s32 s2, $0x0  }
0x5a: {  	s3 =	rddreg [dreg:$0x2];
	[bflag:$0x3] =	sbarrier.arrive $0xFFFF;
	s2 =	simm.s32 @!p0 $0x1C02  }
0x5b: {  	[timem:s3], [sflag:s2] =	dma.local @!p0 [hbm:s0], s1  }
0x5c: {  	s0 =	simm.s32 @!p0 $0x2  }
0x5d: {  	_ =	swait.ge @!p0 [sflag:s0], s1  }
0x5e: {  	s1 =	ssub.s32 @!p0 $0x0, s1;
	[sflag:s0] =	ssyncset.done @!p0 $0x0  }
0x5f: {  	[sflag:s0] =	ssyncadd.s32 @!p0 s1  }
0x60: {  	[bflag:$0x3] =	sbarrier.arrive $0xFFFF  }
0x61: {  	_ =	shalt  }

</sc_bundles>
